<compile_context>
chip_gen: v7x
topology: tpu7x:2x2x1
jax: 0.10.2.dev20260603
libtpu: 0.0.44.dev20260713+nightly
codegen_flags: <defaults>
</compile_context>

<pallas_src>
import functools

import jax
import jax.numpy as jnp
from jax import lax
from jax.experimental import pallas as pl
from jax.experimental.pallas import tpu as pltpu
from jax.experimental.pallas import tpu_sc as plsc


_COL_START = 26
_COL_COUNT = 100
_N_ROWS = 16384
_NC = 2
_NS = 16
_NW = _NC * _NS
_ROWS_PER_W = _N_ROWS // _NW


def _sc_body(in_hbm, out_hbm, buf_in, buf_out, sem):
    wid = lax.axis_index("s") * _NC + lax.axis_index("c")
    base = wid * _ROWS_PER_W
    rows = pl.ds(base, _ROWS_PER_W)
    pltpu.sync_copy(in_hbm.at[rows, :], buf_in)

    @plsc.parallel_loop(0, _ROWS_PER_W, step=1, unroll=8)
    def row(r):
        for k in range(6):
            buf_out[r, pl.ds(16 * k, 16)] = buf_in[r, pl.ds(_COL_START + 16 * k, 16)]
        buf_out[r, pl.ds(84, 16)] = buf_in[r, pl.ds(_COL_START + 84, 16)]
    pltpu.sync_copy(buf_out, out_hbm.at[rows, :])


_sc_kernel = functools.partial(
    pl.kernel,
    out_type=jax.ShapeDtypeStruct((_N_ROWS, _COL_COUNT), jnp.float32),
    mesh=plsc.VectorSubcoreMesh(core_axis_name="c", subcore_axis_name="s"),
    scratch_types=[
        pltpu.VMEM((_ROWS_PER_W, 126), jnp.float32),
        pltpu.VMEM((_ROWS_PER_W, _COL_COUNT), jnp.float32),
        pltpu.SemaphoreType.DMA,
    ],
)(_sc_body)


def kernel(inputs):
    return _sc_kernel(inputs)

# --- scband reference (transcript-rebuilt; emitter-appended) ---
"""Pipeline reference for scband-continuous-extraction-64055142253056 (READ-ONLY COPY).

The authoritative reference and input builder live on the scoring server;
editing this copy changes nothing except your own understanding.
"""

import jax, jax.numpy as jnp
import numpy as np

CONTINUOUS_IDX = np.arange(26, 126, dtype=np.int32)


def setup_inputs(seed: int = 0) -> dict:
    key = jax.random.key(seed)
    inputs = jax.random.normal(key, (16384, 126), dtype=jnp.float32)
    return {"inputs": inputs}


def reference(inputs):
    # Faithful translation of ContinuousExtraction.call:
    # ops.take(inputs, indices=continuous_idx, axis=1)
    idx = jnp.asarray(CONTINUOUS_IDX)
    return jnp.take(inputs, idx, axis=1)

if __name__ == "__main__":
    import jax
    _d = setup_inputs()
    print(jax.jit(kernel)(*tuple(_d.values())))

</pallas_src>

<mosaic_0001>
#map = affine_map<(d0, d1) -> (0, 0)>
module attributes {stable_mosaic.version = 14 : i64} {
  func.func @_sc_body(%arg0: i32, %arg1: i32, %arg2: memref<16384x126xf32, #tpu.memory_space<hbm>>, %arg3: memref<16384x100xf32, #tpu.memory_space<hbm>>, %arg4: memref<512x126xf32, #tpu.memory_space<vmem>>, %arg5: memref<512x100xf32, #tpu.memory_space<vmem>>, %arg6: memref<!tpu.dma_semaphore, #tpu.memory_space<semaphore_mem>>) attributes {dimension_semantics = [#tpu.dimension_semantics<core_parallel>, #tpu.dimension_semantics<subcore_parallel>], iteration_bounds = array<i64: 2, 16>, scalar_prefetch = 0 : i64, scratch_operands = 3 : i64, tpu.core_type = #tpu.core_type<sc_vector_subcore>, window_params = [{transform_indices = #map}, {transform_indices = #map}]} {
    %mul3A = arith.constant 2 : i32
    %mul3A_0 = arith.muli %arg1, %mul3A : i32
    %add3A = arith.addi %mul3A_0, %arg0 : i32
    %mul3A_1 = arith.constant 512 : i32
    %mul3A_2 = arith.muli %add3A, %mul3A_1 : i32
    "tpu.region"() ({
      %run_scoped3A = tpu.sem_alloc : memref<!tpu.dma_semaphore, #tpu.memory_space<semaphore_mem>>
      %dma_start3A = arith.constant 0 : i32
      %dma_start3A_5 = tpu.memref_slice %arg2[%mul3A_2, %dma_start3A] : memref<16384x126xf32, #tpu.memory_space<hbm>> -> memref<512x126xf32, #tpu.memory_space<hbm>>
      %dma_start3A_6 = arith.constant 0 : i32
      %dma_start3A_7 = tpu.memref_slice %arg2[%mul3A_2, %dma_start3A_6] : memref<16384x126xf32, #tpu.memory_space<hbm>> -> memref<512x126xf32, #tpu.memory_space<hbm>>
      tpu.enqueue_dma source(%dma_start3A_7 : memref<512x126xf32, #tpu.memory_space<hbm>>) target(%arg4 : memref<512x126xf32, #tpu.memory_space<vmem>>) target_semaphore(%run_scoped3A : memref<!tpu.dma_semaphore, #tpu.memory_space<semaphore_mem>>)
      %dma_wait3A = arith.constant 0 : i32
      %dma_wait3A_8 = tpu.memref_slice %arg2[%mul3A_2, %dma_wait3A] : memref<16384x126xf32, #tpu.memory_space<hbm>> -> memref<512x126xf32, #tpu.memory_space<hbm>>
      %dma_wait3A_9 = arith.constant 0 : i32
      %dma_wait3A_10 = tpu.memref_slice %arg2[%mul3A_2, %dma_wait3A_9] : memref<16384x126xf32, #tpu.memory_space<hbm>> -> memref<512x126xf32, #tpu.memory_space<hbm>>
      tpu.wait_dma2 semaphore(%run_scoped3A : memref<!tpu.dma_semaphore, #tpu.memory_space<semaphore_mem>>) src(%dma_wait3A_10 : memref<512x126xf32, #tpu.memory_space<hbm>>) dst(%arg4 : memref<512x126xf32, #tpu.memory_space<vmem>>)
      tpu.yield
    }) : () -> ()
    %parallel_loop3A = arith.constant 0 : i32
    %parallel_loop3A_3 = arith.constant 512 : i32
    %parallel_loop3A_4 = arith.constant 1 : i32
    scf.for %parallel_loop3A_5 = %parallel_loop3A to %parallel_loop3A_3 step %parallel_loop3A_4  : i32 {
      %parallel_loop3A_6 = arith.index_cast %parallel_loop3A_5 : i32 to index
      %parallel_loop3A_7 = arith.constant 26 : index
      %parallel_loop3A_8 = tpu.vector_load %arg4[%parallel_loop3A_6, %parallel_loop3A_7] {strides = array<i32>} : memref<512x126xf32, #tpu.memory_space<vmem>>, vector<1x16xf32>,
      %parallel_loop3A_9 = vector.shape_cast %parallel_loop3A_8 : vector<1x16xf32> to vector<16xf32>
      %parallel_loop3A_10 = arith.index_cast %parallel_loop3A_5 : i32 to index
      %parallel_loop3A_11 = arith.constant 0 : index
      %parallel_loop3A_12 = tpu.vector_load %arg5[%parallel_loop3A_10, %parallel_loop3A_11] {strides = array<i32>} : memref<512x100xf32, #tpu.memory_space<vmem>>, vector<1x16xf32>,
      %parallel_loop3A_13 = vector.shape_cast %parallel_loop3A_12 : vector<1x16xf32> to vector<16xf32>
      %parallel_loop3A_14 = vector.shape_cast %parallel_loop3A_9 : vector<16xf32> to vector<1x16xf32>
      tpu.vector_store %arg5[%parallel_loop3A_10, %parallel_loop3A_11], %parallel_loop3A_14 {strides = array<i32>} : memref<512x100xf32, #tpu.memory_space<vmem>>, vector<1x16xf32>,
      %parallel_loop3A_15 = arith.index_cast %parallel_loop3A_5 : i32 to index
      %parallel_loop3A_16 = arith.constant 42 : index
      %parallel_loop3A_17 = tpu.vector_load %arg4[%parallel_loop3A_15, %parallel_loop3A_16] {strides = array<i32>} : memref<512x126xf32, #tpu.memory_space<vmem>>, vector<1x16xf32>,
      %parallel_loop3A_18 = vector.shape_cast %parallel_loop3A_17 : vector<1x16xf32> to vector<16xf32>
      %parallel_loop3A_19 = arith.index_cast %parallel_loop3A_5 : i32 to index
      %parallel_loop3A_20 = arith.constant 16 : index
      %parallel_loop3A_21 = tpu.vector_load %arg5[%parallel_loop3A_19, %parallel_loop3A_20] {strides = array<i32>} : memref<512x100xf32, #tpu.memory_space<vmem>>, vector<1x16xf32>,
      %parallel_loop3A_22 = vector.shape_cast %parallel_loop3A_21 : vector<1x16xf32> to vector<16xf32>
      %parallel_loop3A_23 = vector.shape_cast %parallel_loop3A_18 : vector<16xf32> to vector<1x16xf32>
      tpu.vector_store %arg5[%parallel_loop3A_19, %parallel_loop3A_20], %parallel_loop3A_23 {strides = array<i32>} : memref<512x100xf32, #tpu.memory_space<vmem>>, vector<1x16xf32>,
      %parallel_loop3A_24 = arith.index_cast %parallel_loop3A_5 : i32 to index
      %parallel_loop3A_25 = arith.constant 58 : index
      %parallel_loop3A_26 = tpu.vector_load %arg4[%parallel_loop3A_24, %parallel_loop3A_25] {strides = array<i32>} : memref<512x126xf32, #tpu.memory_space<vmem>>, vector<1x16xf32>,
      %parallel_loop3A_27 = vector.shape_cast %parallel_loop3A_26 : vector<1x16xf32> to vector<16xf32>
      %parallel_loop3A_28 = arith.index_cast %parallel_loop3A_5 : i32 to index
      %parallel_loop3A_29 = arith.constant 32 : index
      %parallel_loop3A_30 = tpu.vector_load %arg5[%parallel_loop3A_28, %parallel_loop3A_29] {strides = array<i32>} : memref<512x100xf32, #tpu.memory_space<vmem>>, vector<1x16xf32>,
      %parallel_loop3A_31 = vector.shape_cast %parallel_loop3A_30 : vector<1x16xf32> to vector<16xf32>
      %parallel_loop3A_32 = vector.shape_cast %parallel_loop3A_27 : vector<16xf32> to vector<1x16xf32>
      tpu.vector_store %arg5[%parallel_loop3A_28, %parallel_loop3A_29], %parallel_loop3A_32 {strides = array<i32>} : memref<512x100xf32, #tpu.memory_space<vmem>>, vector<1x16xf32>,
      %parallel_loop3A_33 = arith.index_cast %parallel_loop3A_5 : i32 to index
      %parallel_loop3A_34 = arith.constant 74 : index
      %parallel_loop3A_35 = tpu.vector_load %arg4[%parallel_loop3A_33, %parallel_loop3A_34] {strides = array<i32>} : memref<512x126xf32, #tpu.memory_space<vmem>>, vector<1x16xf32>,
      %parallel_loop3A_36 = vector.shape_cast %parallel_loop3A_35 : vector<1x16xf32> to vector<16xf32>
      %parallel_loop3A_37 = arith.index_cast %parallel_loop3A_5 : i32 to index
      %parallel_loop3A_38 = arith.constant 48 : index
      %parallel_loop3A_39 = tpu.vector_load %arg5[%parallel_loop3A_37, %parallel_loop3A_38] {strides = array<i32>} : memref<512x100xf32, #tpu.memory_space<vmem>>, vector<1x16xf32>,
      %parallel_loop3A_40 = vector.shape_cast %parallel_loop3A_39 : vector<1x16xf32> to vector<16xf32>
      %parallel_loop3A_41 = vector.shape_cast %parallel_loop3A_36 : vector<16xf32> to vector<1x16xf32>
      tpu.vector_store %arg5[%parallel_loop3A_37, %parallel_loop3A_38], %parallel_loop3A_41 {strides = array<i32>} : memref<512x100xf32, #tpu.memory_space<vmem>>, vector<1x16xf32>,
      %parallel_loop3A_42 = arith.index_cast %parallel_loop3A_5 : i32 to index
      %parallel_loop3A_43 = arith.constant 90 : index
      %parallel_loop3A_44 = tpu.vector_load %arg4[%parallel_loop3A_42, %parallel_loop3A_43] {strides = array<i32>} : memref<512x126xf32, #tpu.memory_space<vmem>>, vector<1x16xf32>,
      %parallel_loop3A_45 = vector.shape_cast %parallel_loop3A_44 : vector<1x16xf32> to vector<16xf32>
      %parallel_loop3A_46 = arith.index_cast %parallel_loop3A_5 : i32 to index
      %parallel_loop3A_47 = arith.constant 64 : index
      %parallel_loop3A_48 = tpu.vector_load %arg5[%parallel_loop3A_46, %parallel_loop3A_47] {strides = array<i32>} : memref<512x100xf32, #tpu.memory_space<vmem>>, vector<1x16xf32>,
      %parallel_loop3A_49 = vector.shape_cast %parallel_loop3A_48 : vector<1x16xf32> to vector<16xf32>
      %parallel_loop3A_50 = vector.shape_cast %parallel_loop3A_45 : vector<16xf32> to vector<1x16xf32>
      tpu.vector_store %arg5[%parallel_loop3A_46, %parallel_loop3A_47], %parallel_loop3A_50 {strides = array<i32>} : memref<512x100xf32, #tpu.memory_space<vmem>>, vector<1x16xf32>,
      %parallel_loop3A_51 = arith.index_cast %parallel_loop3A_5 : i32 to index
      %parallel_loop3A_52 = arith.constant 106 : index
      %parallel_loop3A_53 = tpu.vector_load %arg4[%parallel_loop3A_51, %parallel_loop3A_52] {strides = array<i32>} : memref<512x126xf32, #tpu.memory_space<vmem>>, vector<1x16xf32>,
      %parallel_loop3A_54 = vector.shape_cast %parallel_loop3A_53 : vector<1x16xf32> to vector<16xf32>
      %parallel_loop3A_55 = arith.index_cast %parallel_loop3A_5 : i32 to index
      %parallel_loop3A_56 = arith.constant 80 : index
      %parallel_loop3A_57 = tpu.vector_load %arg5[%parallel_loop3A_55, %parallel_loop3A_56] {strides = array<i32>} : memref<512x100xf32, #tpu.memory_space<vmem>>, vector<1x16xf32>,
      %parallel_loop3A_58 = vector.shape_cast %parallel_loop3A_57 : vector<1x16xf32> to vector<16xf32>
      %parallel_loop3A_59 = vector.shape_cast %parallel_loop3A_54 : vector<16xf32> to vector<1x16xf32>
      tpu.vector_store %arg5[%parallel_loop3A_55, %parallel_loop3A_56], %parallel_loop3A_59 {strides = array<i32>} : memref<512x100xf32, #tpu.memory_space<vmem>>, vector<1x16xf32>,
      %parallel_loop3A_60 = arith.index_cast %parallel_loop3A_5 : i32 to index
      %parallel_loop3A_61 = arith.constant 110 : index
      %parallel_loop3A_62 = tpu.vector_load %arg4[%parallel_loop3A_60, %parallel_loop3A_61] {strides = array<i32>} : memref<512x126xf32, #tpu.memory_space<vmem>>, vector<1x16xf32>,
      %parallel_loop3A_63 = vector.shape_cast %parallel_loop3A_62 : vector<1x16xf32> to vector<16xf32>
      %parallel_loop3A_64 = arith.index_cast %parallel_loop3A_5 : i32 to index
      %parallel_loop3A_65 = arith.constant 84 : index
      %parallel_loop3A_66 = tpu.vector_load %arg5[%parallel_loop3A_64, %parallel_loop3A_65] {strides = array<i32>} : memref<512x100xf32, #tpu.memory_space<vmem>>, vector<1x16xf32>,
      %parallel_loop3A_67 = vector.shape_cast %parallel_loop3A_66 : vector<1x16xf32> to vector<16xf32>
      %parallel_loop3A_68 = vector.shape_cast %parallel_loop3A_63 : vector<16xf32> to vector<1x16xf32>
      tpu.vector_store %arg5[%parallel_loop3A_64, %parallel_loop3A_65], %parallel_loop3A_68 {strides = array<i32>} : memref<512x100xf32, #tpu.memory_space<vmem>>, vector<1x16xf32>,
    } {sc.loop_unroll_factor = 8 : i64, sc.parallel_access}
    "tpu.region"() ({
      %run_scoped3A = tpu.sem_alloc : memref<!tpu.dma_semaphore, #tpu.memory_space<semaphore_mem>>
      %dma_start3A = arith.constant 0 : i32
      %dma_start3A_5 = tpu.memref_slice %arg3[%mul3A_2, %dma_start3A] : memref<16384x100xf32, #tpu.memory_space<hbm>> -> memref<512x100xf32, #tpu.memory_space<hbm>>
      %dma_start3A_6 = arith.constant 0 : i32
      %dma_start3A_7 = tpu.memref_slice %arg3[%mul3A_2, %dma_start3A_6] : memref<16384x100xf32, #tpu.memory_space<hbm>> -> memref<512x100xf32, #tpu.memory_space<hbm>>
      tpu.enqueue_dma source(%arg5 : memref<512x100xf32, #tpu.memory_space<vmem>>) target(%dma_start3A_7 : memref<512x100xf32, #tpu.memory_space<hbm>>) target_semaphore(%run_scoped3A : memref<!tpu.dma_semaphore, #tpu.memory_space<semaphore_mem>>)
      %dma_wait3A = arith.constant 0 : i32
      %dma_wait3A_8 = tpu.memref_slice %arg3[%mul3A_2, %dma_wait3A] : memref<16384x100xf32, #tpu.memory_space<hbm>> -> memref<512x100xf32, #tpu.memory_space<hbm>>
      %dma_wait3A_9 = arith.constant 0 : i32
      %dma_wait3A_10 = tpu.memref_slice %arg3[%mul3A_2, %dma_wait3A_9] : memref<16384x100xf32, #tpu.memory_space<hbm>> -> memref<512x100xf32, #tpu.memory_space<hbm>>
      tpu.wait_dma2 semaphore(%run_scoped3A : memref<!tpu.dma_semaphore, #tpu.memory_space<semaphore_mem>>) src(%arg5 : memref<512x100xf32, #tpu.memory_space<vmem>>) dst(%dma_wait3A_10 : memref<512x100xf32, #tpu.memory_space<hbm>>)
      tpu.yield
    }) : () -> ()
    return
  }
}

</mosaic_0001>

<sc_bundles>
// kernel: kernel.3.cloned.1.call-start
scs
__scs_entry_jumppad:
0x0: {  	(pc) =	sbr.rel $0x88, $3  }
0x1: {  	(tag) =	ssettag $0x0;
	lr =	simm.s32 $0x1  }
0x2: {  	[smem:$0x3FA0] =	sst lr;
	_ =	strace $0xD0000000  }
0x3: {  	_ = 	snop  }
0x4: {  	_ = 	snop  }
0x5: {  	_ = 	snop  }
0x6: {  	_ = 	snop  }
0x7: {  	_ = 	snop  }
__scs_overlays_trampoline_lowered:
0x8: {  	[smem:$0x3FAF] =	sst s0  }
0x9: {  	[smem:$0x3FB0] =	sst s1  }
0xa: {  	[smem:$0x3FB1] =	sst s2  }
0xb: {  	[smem:$0x3FB2] =	sst s3  }
0xc: {  	[smem:$0x3FB3] =	sst s4  }
0xd: {  	[smem:$0x3FB4] =	sst s5  }
0xe: {  	[smem:$0x3FB5] =	sst s6  }
0xf: {  	[smem:$0x3FB6] =	sst s7  }
0x10: {  	[smem:$0x3FB7] =	sst s8  }
0x11: {  	[smem:$0x3FB8] =	sst s9;
	s0 =	simm.s32 @!p0 $0x0  }
0x12: {  	s1 =	sld [smem:$0x3F9E];
	s0 =	simm.s32 @p0 $0x1  }
0x13: {  	[smem:$0x3FB9] =	sst s0;
	s0 =	simm.s32 @!p1 $0x0  }
0x14: {  	s2 =	sld [smem:$0x3F9D];
	s0 =	simm.s32 @p1 $0x1  }
0x15: {  	[smem:$0x3FBA] =	sst s0;
	s0 =	simm.s32 @!p2 $0x0  }
0x16: {  	s3 =	sld [smem:$0x3FDB];
	s0 =	simm.s32 @p2 $0x1  }
0x17: {  	s4 =	simm.s32 $0x1BF5;
	[smem:$0x3FBC] =	sst s0  }
0x18: {  	s0 =	sld [smem:$0x3F9F];
	_ =	swait.ge [sflag:s4], $0x0  }
0x19: {  	s7 =	sld [smem:$0x3FA0]  }
0x1a: {  	s8 =	sadd.s32 $0xFFFFE003, lr  }
0x1b: {  	s9 =	sadd.s32 $0xFFFFFEF7, lr;
	s5 =	simm.s32 $0xFFFFFFFF;
	p2 =	slt.u32 s8, $0xFFFFF086  }
0x1c: {  	p1 =	slt.u32 s9, $0xF7A;
	s5 =	simm.s32 @!p2 $0x0  }
0x1d: {  	s5 =	simm.s32 @p1 $0x1;
	p0 =	seq.s32 s7, s2  }
0x1e: {  	s7 =	smul.u32 @!p0 $0xF7A, s2;
	p2 =	seq.s32 @!p0 s5, $0x0  }
0x1f: {  	s9 =	smul.u32 $0xF7A, s1;
	s8 =	simm.s32 @!p0 $0x1BF5;
	p2 =	por !p2, p0  }
0x20: {  	[sflag:s8] =	ssyncset.s32 @!p0 $0xFFFFF086;
	s6 =	sadd.s32 @!p0 s3, s7;
	s7 =	simm.s32 @!p0 $0x108  }
0x21: {  	s3 =	sadd.s32 s3, s9;
	s6 =	sadd.s32 @!p0 $0x88, s6;
	s7 =	simm.s32 @p2 $0x1082  }
0x22: {  	[simem:s7], [sflag:s8] =	dma.local @!p0 [hbm:s6], $0xF7A  }
0x23: {  	s9 =	sor.u32 $0xD0000000, s2;
	s6 =	simm.s32 $0x108;
	_ =	swait.ge @!p0 [sflag:s8], $0x0  }
0x24: {  	s3 =	sadd.s32 $0x88, s3;
	s6 =	simm.s32 @!p1 $0x1082;
	[sflag:s4] =	ssyncset.s32 $0xFFFFF086  }
0x25: {  	[simem:s6], [sflag:s4] =	dma.local [hbm:s3], $0xF7A  }
0x26: {  	[smem:$0x3FA0] =	sst s1;
	(tag) =	ssettag s2;
	_ =	strace s9  }
0x27: {  	s1 =	sld [smem:$0x3FB0]  }
0x28: {  	s2 =	sld [smem:$0x3FB1]  }
0x29: {  	s4 =	sld [smem:$0x3FB3]  }
0x2a: {  	p0 =	seq.s32 s5, $0x0;
	s5 =	sld [smem:$0x3FB4]  }
0x2b: {  	s6 =	sld [smem:$0x3FB5]  }
0x2c: {  	s7 =	sld [smem:$0x3FB6]  }
0x2d: {  	s3 =	simm.s32 $0x108;
	s8 =	sld [smem:$0x3FB7]  }
0x2e: {  	s3 =	simm.s32 @!p0 $0x1082;
	s9 =	sld [smem:$0x3FB8]  }
0x2f: {  	lr =	sadd.s32 s0, s3;
	s0 =	sld [smem:$0x3FAF]  }
0x30: {  	s3 =	sld [smem:$0x3FB2]  }
0x31: {  	[smem:$0x3FBB] =	sst s10  }
0x32: {  	s10 =	sld [smem:$0x3FB9];
	_ =	sdelay $0x3  }
0x33: {  	p0 =	seq.s32 s10, $0x1;
	s10 =	sld [smem:$0x3FBB];
	_ =	sdelay $0x3  }
0x34: {  	[smem:$0x3FBB] =	sst s10  }
0x35: {  	s10 =	sld [smem:$0x3FBA];
	_ =	sdelay $0x3  }
0x36: {  	p1 =	seq.s32 s10, $0x1;
	s10 =	sld [smem:$0x3FBB];
	_ =	sdelay $0x3  }
0x37: {  	[smem:$0x3FBB] =	sst s10  }
0x38: {  	s10 =	sld [smem:$0x3FBC]  }
0x39: {  	_ = 	snop;
	(pc) =	sbr.ind lr, $3  }
0x3a: {  	_ = 	snop  }
0x3b: {  	_ = 	snop  }
0x3c: {  	p2 =	seq.s32 s10, $0x1;
	s10 =	sld [smem:$0x3FBB]  }
0x3d: {  	_ =	shalt  }
0x3e: {  	_ =	shalt  }
0x3f: {  	_ =	shalt  }
0x40: {  	_ =	shalt  }
0x41: {  	_ =	shalt  }
0x42: {  	_ =	shalt  }
0x43: {  	_ =	shalt  }
0x44: {  	_ =	shalt  }
0x45: {  	_ =	shalt  }
0x46: {  	_ =	shalt  }
0x47: {  	_ =	shalt  }
0x48: {  	_ =	shalt  }
0x49: {  	_ =	shalt  }
0x4a: {  	_ =	shalt  }
0x4b: {  	_ =	shalt  }
0x4c: {  	_ =	shalt  }
0x4d: {  	_ =	shalt  }
0x4e: {  	_ =	shalt  }
0x4f: {  	_ =	shalt  }
0x50: {  	_ =	shalt  }
0x51: {  	_ =	shalt  }
0x52: {  	_ =	shalt  }
0x53: {  	_ =	shalt  }
0x54: {  	_ =	shalt  }
0x55: {  	_ =	shalt  }
0x56: {  	_ =	shalt  }
0x57: {  	_ =	shalt  }
0x58: {  	_ =	shalt  }
0x59: {  	_ =	shalt  }
0x5a: {  	_ =	shalt  }
0x5b: {  	_ =	shalt  }
0x5c: {  	_ =	shalt  }
0x5d: {  	_ =	shalt  }
0x5e: {  	_ =	shalt  }
0x5f: {  	_ =	shalt  }
0x60: {  	_ =	shalt  }
0x61: {  	_ =	shalt  }
0x62: {  	_ =	shalt  }
0x63: {  	_ =	shalt  }
0x64: {  	_ =	shalt  }
0x65: {  	_ =	shalt  }
0x66: {  	_ =	shalt  }
0x67: {  	_ =	shalt  }
0x68: {  	_ =	shalt  }
0x69: {  	_ =	shalt  }
0x6a: {  	_ =	shalt  }
0x6b: {  	_ =	shalt  }
0x6c: {  	_ =	shalt  }
0x6d: {  	_ =	shalt  }
0x6e: {  	_ =	shalt  }
0x6f: {  	_ =	shalt  }
0x70: {  	_ =	shalt  }
0x71: {  	_ =	shalt  }
0x72: {  	_ =	shalt  }
0x73: {  	_ =	shalt  }
0x74: {  	_ =	shalt  }
0x75: {  	_ =	shalt  }
0x76: {  	_ =	shalt  }
0x77: {  	_ =	shalt  }
0x78: {  	_ =	shalt  }
0x79: {  	_ =	shalt  }
0x7a: {  	_ =	shalt  }
0x7b: {  	_ =	shalt  }
0x7c: {  	_ =	shalt  }
0x7d: {  	_ =	shalt  }
0x7e: {  	_ =	shalt  }
0x7f: {  	_ =	shalt  }
0x80: {  	_ =	shalt  }
0x81: {  	_ =	shalt  }
0x82: {  	_ =	shalt  }
0x83: {  	_ =	shalt  }
0x84: {  	_ =	shalt  }
0x85: {  	_ =	shalt  }
0x86: {  	_ =	shalt  }
0x87: {  	_ =	shalt  }
.Lfunc_end0:
.L_simem_size_0:
called_computation_lowered:
.L_overlay_start_0:
0x88: {  	s2 =	sld [smem:$0x3FD9]  }
0x89: {  	s3 =	sld [smem:$0x3FFE];
	_ =	sdelay $0x1  }
0x8a: {  	s1 =	srdreg.scid  }
0x8b: {  	s0 =	sand.u32 $0x1, s1  }
0x8c: {  	s17 =	sshll.u32 s0, $0xA;
	s2 =	sadd.s32 s3, s2  }
0x8d: {  	s2 =	sadd.s32 s2, s17  }
0x8e: {  	[smem:$0x3FC7] =	sst s2  }
0x8f: {  	_ = 	snop  }
0x90: {  	s2 =	sld [smem:$0x3FC9];
	(tm) =	ssettm $0x1  }
0x91: {  	s18 =	sld [smem:$0x3FFB];
	_ =	sdelay $0x3  }
0x92: {  	_ =	strace s18  }
0x93: {  	s3 =	sld [smem:$0x3FFC];
	_ =	sdelay $0x3  }
0x94: {  	_ =	strace s3  }
0x95: {  	s3 =	sld [smem:$0x3FFD];
	_ =	sdelay $0x3  }
0x96: {  	_ =	strace s3  }
0x97: {  	_ =	strace $0x8FFFFFFF  }
0x98: {  	s19 =	sld [smem:$0x3FDB];
	_ =	sdelay $0x1  }
0x99: {  	s4 =	simm.s32 $_scs_section_size  }
0x9a: {  	s5 =	simm.s32 $_size__tile_overlayer_lowered;
	s6 =	simm.s32 $_tile_overlayer_lowered  }
0x9b: {  	s22 =	simm.s32 $0x1BFF;
	s21 =	sshll.u32 s6, $0x1;
	s3 =	sadd.s32 s4, s19  }
0x9c: {  	s7 =	simm.s32 $0x0;
	s20 =	sshll.u32 s5, $0x1;
	s5 =	sadd.s32 s21, s3  }
0x9d: {  	[timem:s7], [sflag:s22] =	dma.local [hbm:s5], s20  }
0x9e: {  	_ =	swait.ge [sflag:s22], s20  }
0x9f: {  	s4 =	ssub.s32 $0x0, s20;
	[sflag:s22] =	ssyncset.done $0x0  }
0xa0: {  	[sflag:s22] =	ssyncadd.s32 s4;
	_ =	sdelay $0x1  }
0xa1: {  	s23 =	simm.s32 $0x1B8B  }
0xa2: {  	_ =	swait.ge [sflag:s23], $0x1  }
0xa3: {  	[sflag:s23] =	ssyncset.done $0x0  }
0xa4: {  	s25 =	simm.s32 $0x1B8E;
	s24 =	sld [smem:$0x3FFE];
	[sflag:s23] =	ssyncadd.s32 $0xFFFFFFFF  }
0xa5: {  	s26 =	simm.s32 $execute0_lowered;
	[smem:$0x3FD2] =	sst s25  }
0xa6: {  	s5 =	sshll.u32 s26, $0x1;
	_ =	strace $0x80000046;
	[dreg:$0x1] =	wrdreg $0xFFFFFFFF  }
0xa7: {  	s28 =	simm.s32 $_size_execute0_lowered;
	s3 =	sadd.s32 s3, s5;
	[dreg:$0x0] =	wrdreg $0x0  }
0xa8: {  	s5 =	sshll.u32 s28, $0x1;
	[dreg:$0x2] =	wrdreg s3  }
0xa9: {  	[dreg:$0x3] =	wrdreg s5  }
0xaa: {  	[dreg:$0x4] =	wrdreg $0xC0  }
0xab: {  	_ =	task [dreg:s7], $0x5FFFF  }
0xac: {  	[dreg:$0x1] =	wrdreg $0xFFFFFFFF  }
0xad: {  	[dreg:$0x0] =	wrdreg $0x60  }
0xae: {  	[dreg:$0x2] =	wrdreg s2  }
0xaf: {  	[dreg:$0x3] =	wrdreg s24  }
0xb0: {  	[dreg:$0x4] =	wrdreg $0x9  }
0xb1: {  	_ =	task.clear_ibuf [dreg:s7], $0x5FFFF;
	_ =	strace $0x90000046  }
0xb2: {  	s29 =	simm.s32 $0x9;
	_ =	strace $0x80000048  }
0xb3: {  	_ =	swait.ge [sflag:s29], $0x1  }
0xb4: {  	[sflag:s29] =	ssyncadd.s32 $0xFFFFFFFF  }
0xb5: {  	_ =	strace $0x90000048  }
0xb6: {  	_ =	sfence  }
0xb7: {  	s30 =	sld [smem:$0x0];
	_ =	sdelay $0x2  }
0xb8: {  	s31 =	sshll.u32 s1, $0xD;
	s1 =	sshrl.u32 s1, $0x2  }
0xb9: {  	s3 =	sand.u32 $0x4000, s31;
	s1 =	sadd.s32 s1, s30  }
0xba: {  	s0 =	sor.u32 s3, s0;
	s1 =	sshll.u32 s1, $0x11  }
0xbb: {  	s0 =	sor.u32 s1, s0  }
0xbc: {  	s0 =	sadd.s32 $0x8F2B, s0  }
0xbd: {  	[sflag:s0] =	ssyncadd.remote.s32 $0x1  }
0xbe: {  	_ =	sfence.sel $0xFFFF  }
0xbf: {  	[dreg:$0x0] =	wrdreg $0xFFFFFFFF;
	(pc) =	sbr.abs _section_cstart, $3  }
0xc0: {  	[dreg:$0x1] =	wrdreg $0xFFFFFFFF  }
0xc1: {  	_ =	task.clear_ibuf [dreg:s7], $0x2FFFF;
	_ =	strace $0x9FFFFFFF  }
0xc2: {  	(tm) =	ssettm $0x7FFFFFFF  }
0xc3: {  	_ =	shalt  }
tec
execute0_lowered:
.L_overlay_start_1:
0x0: {  	(tag) =	ssettag $0x1  }
0x1: {  	s3 =	rddreg [dreg:$0x0]  }
0x2: {  	s4 =	rddreg [dreg:$0x1]  }
0x3: {  	s0 =	rddreg [dreg:$0x2];
	s5 =	srdreg.scid  }
0x4: {  	s2 =	simm.s32 $0x0;
	s1 =	stileid.u32;
	s8 =	simm.s32 $0x0  }
0x5: {  	s5 =	sand.u32 $0x1, s5;
	s6 =	sshll.u32 s1, $0xE;
	[smem:$0x7FF] =	sst s2  }
0x6: {  	s7 =	sshll.u32 s5, $0xD;
	s5 =	ssub.s32 $0x2, s5;
	_ =	strace $0x80000047  }
0x7: {  	s6 =	sor.u32 s7, s6;
	s31 =	sshrl.u32 s5, $0x1;
	s7 =	simm.s32 $0x10000  }
0x8: {  	s4 =	sadd.s32 s6, s4;
	s5 =	ssub.s32 s5, s31;
	s3 =	sadd.s32 s3, s6  }
0x9: {  	s6 =	simm.s32 $0x1;
	s4 =	sadd.s32 $0x400, s4;
	s5 =	smax.u32 s5, $0x1  }
.LBB2_1:
0xa: {  	[tilespmem:s2], [sflag:$0x1] =	stream.linear.gather [hbm4b:s3+s2], $0x10000, $0x38;
	v63 =	vld [tilespmem:$0x0]  }
0xb: {  	_ =	swait.ge [sflag:s6], $0x10000  }
0xc: {  	[sflag:s6] =	ssyncset.done $0x0  }
0xd: {  	s11 =	simm.s32 $0x21A;
	[sflag:s6] =	ssyncadd.s32 $0xFFFF0000  }
0xe: {  	v0 =	vld [tilespmem:s11+$0x180]  }
0xf: {  	v1 =	vld [tilespmem:s11+$0xFFFFFE80]  }
0x10: {  	v2 =	vld [tilespmem:s11+$0xFFFFFF00]  }
0x11: {  	v3 =	vld [tilespmem:s11+$0xFFFFFF80]  }
0x12: {  	s9 =	simm.s32 $0x10200;
	v4 =	vld [tilespmem:s11+$0x0]  }
0x13: {  	v5 =	vld [tilespmem:s11+$0x80];
	[tilespmem:s9+$0x180] =	vst v0  }
0x14: {  	[tilespmem:s9+$0xFFFFFE80] =	vst v1;
	v1 =	vld [tilespmem:s11+$0x100]  }
0x15: {  	[tilespmem:s9+$0xFFFFFF00] =	vst v2;
	v2 =	vld [tilespmem:s11+$0xFFFFFE00]  }
0x16: {  	[tilespmem:s9+$0xFFFFFF80] =	vst v3;
	v0 =	vld [tilespmem:s11+$0x190]  }
0x17: {  	[tilespmem:s9+$0x0] =	vst v4;
	v3 =	vld [tilespmem:s11+$0xFFFFFE90]  }
0x18: {  	[tilespmem:s9+$0x80] =	vst v5;
	v4 =	vld [tilespmem:s11+$0xFFFFFF10]  }
0x19: {  	v5 =	vld [tilespmem:s11+$0xFFFFFF90];
	[tilespmem:s9+$0x100] =	vst v1  }
0x1a: {  	[tilespmem:s9+$0xFFFFFE00] =	vst v2;
	v1 =	vld [tilespmem:s11+$0x10]  }
0x1b: {  	[tilespmem:s9+$0x190] =	vst v0;
	v2 =	vld [tilespmem:s11+$0xFFFFFE10]  }
0x1c: {  	[tilespmem:s9+$0xFFFFFE90] =	vst v3;
	v3 =	vld [tilespmem:s11+$0x90]  }
0x1d: {  	[tilespmem:s9+$0xFFFFFF10] =	vst v4;
	v0 =	vld [tilespmem:s11+$0x1A0]  }
0x1e: {  	[tilespmem:s9+$0xFFFFFF90] =	vst v5;
	v5 =	vld [tilespmem:s11+$0xFFFFFEA0]  }
0x1f: {  	v4 =	vld [tilespmem:s11+$0x110];
	[tilespmem:s9+$0x10] =	vst v1  }
0x20: {  	v1 =	vld [tilespmem:s11+$0xFFFFFF20];
	[tilespmem:s9+$0xFFFFFE10] =	vst v2  }
0x21: {  	[tilespmem:s9+$0x90] =	vst v3;
	v3 =	vld [tilespmem:s11+$0xFFFFFFA0]  }
0x22: {  	[tilespmem:s9+$0x1A0] =	vst v0;
	v2 =	vld [tilespmem:s11+$0xFFFFFE20]  }
0x23: {  	[tilespmem:s9+$0xFFFFFEA0] =	vst v5;
	v5 =	vld [tilespmem:s11+$0xA0]  }
0x24: {  	[tilespmem:s9+$0x110] =	vst v4;
	v0 =	vld [tilespmem:s11+$0x1B0]  }
0x25: {  	v4 =	vld [tilespmem:s11+$0x20];
	[tilespmem:s9+$0xFFFFFF20] =	vst v1  }
0x26: {  	v1 =	vld [tilespmem:s11+$0x120];
	[tilespmem:s9+$0xFFFFFFA0] =	vst v3  }
0x27: {  	v3 =	vld [tilespmem:s11+$0xFFFFFEB0];
	[tilespmem:s9+$0xFFFFFE20] =	vst v2  }
0x28: {  	[tilespmem:s9+$0xA0] =	vst v5;
	v5 =	vld [tilespmem:s11+$0xFFFFFFB0]  }
0x29: {  	[tilespmem:s9+$0x1B0] =	vst v0;
	v2 =	vld [tilespmem:s11+$0xFFFFFE30]  }
0x2a: {  	[tilespmem:s9+$0x20] =	vst v4;
	v0 =	vld [tilespmem:s11+$0x1C0]  }
0x2b: {  	v4 =	vld [tilespmem:s11+$0xFFFFFF30];
	[tilespmem:s9+$0x120] =	vst v1  }
0x2c: {  	v1 =	vld [tilespmem:s11+$0x30];
	[tilespmem:s9+$0xFFFFFEB0] =	vst v3  }
0x2d: {  	v3 =	vld [tilespmem:s11+$0x130];
	[tilespmem:s9+$0xFFFFFFB0] =	vst v5  }
0x2e: {  	v5 =	vld [tilespmem:s11+$0xFFFFFEC0];
	[tilespmem:s9+$0xFFFFFE30] =	vst v2  }
0x2f: {  	v2 =	vld [tilespmem:s11+$0xB0];
	[tilespmem:s9+$0x1C0] =	vst v0  }
0x30: {  	[tilespmem:s9+$0xFFFFFF30] =	vst v4;
	v0 =	vld [tilespmem:s11+$0x1D0]  }
0x31: {  	[tilespmem:s9+$0x30] =	vst v1  }
0x32: {  	v4 =	vld [tilespmem:s11+$0xFFFFFE40];
	[tilespmem:s9+$0x130] =	vst v3  }
0x33: {  	v1 =	vld [tilespmem:s11+$0xFFFFFF40];
	[tilespmem:s9+$0xFFFFFEC0] =	vst v5  }
0x34: {  	v5 =	vld [tilespmem:s11+$0x140];
	[tilespmem:s9+$0xB0] =	vst v2  }
0x35: {  	v2 =	vld [tilespmem:s11+$0xFFFFFFC0];
	[tilespmem:s9+$0x1D0] =	vst v0  }
0x36: {  	v0 =	vld [tilespmem:s11+$0x1D4]  }
0x37: {  	v3 =	vld [tilespmem:s11+$0x40];
	[tilespmem:s9+$0xFFFFFE40] =	vst v4  }
0x38: {  	v4 =	vld [tilespmem:s11+$0xC0];
	[tilespmem:s9+$0xFFFFFF40] =	vst v1  }
0x39: {  	v1 =	vld [tilespmem:s11+$0xFFFFFED0];
	[tilespmem:s9+$0x140] =	vst v5  }
0x3a: {  	[tilespmem:s9+$0xFFFFFFC0] =	vst v2;
	v2 =	vld [tilespmem:s11+$0xFFFFFF50]  }
0x3b: {  	[tilespmem:s9+$0x1D4] =	vst v0;
	v0 =	vld [tilespmem:s11+$0xFFFFFE50]  }
0x3c: {  	[tilespmem:s9+$0x40] =	vst v3;
	v6 =	vld [tilespmem:s11+$0x150]  }
0x3d: {  	v3 =	vld [tilespmem:s11+$0xFFFFFFD0];
	[tilespmem:s9+$0xC0] =	vst v4  }
0x3e: {  	v4 =	vld [tilespmem:s11+$0x50];
	[tilespmem:s9+$0xFFFFFED0] =	vst v1  }
0x3f: {  	v5 =	vld [tilespmem:s11+$0xD0];
	[tilespmem:s9+$0xFFFFFF50] =	vst v2  }
0x40: {  	v8 =	vld [tilespmem:s11+$0xFFFFFED4];
	[tilespmem:s9+$0xFFFFFE50] =	vst v0  }
0x41: {  	[tilespmem:s9+$0x150] =	vst v6;
	v7 =	vld [tilespmem:s11+$0xFFFFFE54]  }
0x42: {  	[tilespmem:s9+$0xFFFFFFD0] =	vst v3;
	v0 =	vld [tilespmem:s11+$0xFFFFFF54]  }
0x43: {  	[tilespmem:s9+$0x50] =	vst v4;
	v1 =	vld [tilespmem:s11+$0xFFFFFFD4]  }
0x44: {  	[tilespmem:s9+$0xD0] =	vst v5;
	v2 =	vld [tilespmem:s11+$0x54]  }
0x45: {  	v3 =	vld [tilespmem:s11+$0xD4];
	[tilespmem:s9+$0xFFFFFED4] =	vst v8  }
0x46: {  	s10 =	simm.s32 $0x0;
	v4 =	vld [tilespmem:s11+$0x154];
	s11 =	simm.s32 $0x61A;
	[tilespmem:s9+$0xFFFFFE54] =	vst v7  }
.LBB2_2:
0x47: {  	v5 =	vld [tilespmem:s11+$0x180];
	s10 =	sadd.s32 $0x8, s10;
	[tilespmem:s9+$0xFFFFFF54] =	vst v0  }
0x48: {  	v0 =	vld [tilespmem:s11+$0xFFFFFE80];
	p0 =	slt.u32 s10, $0x1F8;
	[tilespmem:s9+$0xFFFFFFD4] =	vst v1  }
0x49: {  	v1 =	vld [tilespmem:s11+$0xFFFFFF00];
	[tilespmem:s9+$0x54] =	vst v2  }
0x4a: {  	v2 =	vld [tilespmem:s11+$0xFFFFFF80];
	[tilespmem:s9+$0xD4] =	vst v3  }
0x4b: {  	v3 =	vld [tilespmem:s11+$0x0];
	[tilespmem:s9+$0x154] =	vst v4;
	s9 =	sadd.s32 $0x400, s9  }
0x4c: {  	v4 =	vld [tilespmem:s11+$0x80];
	[tilespmem:s9+$0x180] =	vst v5  }
0x4d: {  	[tilespmem:s9+$0xFFFFFE80] =	vst v0;
	v0 =	vld [tilespmem:s11+$0x190]  }
0x4e: {  	[tilespmem:s9+$0xFFFFFF00] =	vst v1;
	v1 =	vld [tilespmem:s11+$0x100]  }
0x4f: {  	v5 =	vld [tilespmem:s11+$0xFFFFFE00];
	[tilespmem:s9+$0xFFFFFF80] =	vst v2  }
0x50: {  	v2 =	vld [tilespmem:s11+$0xFFFFFE90];
	[tilespmem:s9+$0x0] =	vst v3  }
0x51: {  	v3 =	vld [tilespmem:s11+$0xFFFFFF10];
	[tilespmem:s9+$0x80] =	vst v4  }
0x52: {  	v4 =	vld [tilespmem:s11+$0xFFFFFF90];
	[tilespmem:s9+$0x190] =	vst v0  }
0x53: {  	[tilespmem:s9+$0x100] =	vst v1;
	v0 =	vld [tilespmem:s11+$0x1A0]  }
0x54: {  	[tilespmem:s9+$0xFFFFFE00] =	vst v5;
	v1 =	vld [tilespmem:s11+$0x10]  }
0x55: {  	v5 =	vld [tilespmem:s11+$0xFFFFFE10];
	[tilespmem:s9+$0xFFFFFE90] =	vst v2  }
0x56: {  	[tilespmem:s9+$0xFFFFFF10] =	vst v3;
	v2 =	vld [tilespmem:s11+$0x90]  }
0x57: {  	[tilespmem:s9+$0xFFFFFF90] =	vst v4;
	v3 =	vld [tilespmem:s11+$0x110]  }
0x58: {  	v4 =	vld [tilespmem:s11+$0xFFFFFEA0];
	[tilespmem:s9+$0x1A0] =	vst v0  }
0x59: {  	[tilespmem:s9+$0x10] =	vst v1;
	v0 =	vld [tilespmem:s11+$0x1B0]  }
0x5a: {  	[tilespmem:s9+$0xFFFFFE10] =	vst v5;
	v1 =	vld [tilespmem:s11+$0xFFFFFF20]  }
0x5b: {  	v5 =	vld [tilespmem:s11+$0xFFFFFE20];
	[tilespmem:s9+$0x90] =	vst v2  }
0x5c: {  	v2 =	vld [tilespmem:s11+$0xFFFFFFA0];
	[tilespmem:s9+$0x110] =	vst v3  }
0x5d: {  	[tilespmem:s9+$0xFFFFFEA0] =	vst v4;
	v3 =	vld [tilespmem:s11+$0x20]  }
0x5e: {  	v4 =	vld [tilespmem:s11+$0xA0];
	[tilespmem:s9+$0x1B0] =	vst v0  }
0x5f: {  	[tilespmem:s9+$0xFFFFFF20] =	vst v1;
	v0 =	vld [tilespmem:s11+$0x1C0]  }
0x60: {  	[tilespmem:s9+$0xFFFFFE20] =	vst v5;
	v1 =	vld [tilespmem:s11+$0x120]  }
0x61: {  	v5 =	vld [tilespmem:s11+$0xFFFFFE30];
	[tilespmem:s9+$0xFFFFFFA0] =	vst v2  }
0x62: {  	v2 =	vld [tilespmem:s11+$0xFFFFFEB0];
	[tilespmem:s9+$0x20] =	vst v3  }
0x63: {  	v3 =	vld [tilespmem:s11+$0xFFFFFF30];
	[tilespmem:s9+$0xA0] =	vst v4  }
0x64: {  	v4 =	vld [tilespmem:s11+$0xFFFFFFB0];
	[tilespmem:s9+$0x1C0] =	vst v0  }
0x65: {  	[tilespmem:s9+$0x120] =	vst v1;
	v0 =	vld [tilespmem:s11+$0x1D0]  }
0x66: {  	[tilespmem:s9+$0xFFFFFE30] =	vst v5;
	v1 =	vld [tilespmem:s11+$0x30]  }
0x67: {  	[tilespmem:s9+$0xFFFFFEB0] =	vst v2;
	v2 =	vld [tilespmem:s11+$0xB0]  }
0x68: {  	[tilespmem:s9+$0xFFFFFF30] =	vst v3;
	v3 =	vld [tilespmem:s11+$0x130]  }
0x69: {  	v5 =	vld [tilespmem:s11+$0xFFFFFE40];
	[tilespmem:s9+$0xFFFFFFB0] =	vst v4  }
0x6a: {  	v4 =	vld [tilespmem:s11+$0xFFFFFEC0];
	[tilespmem:s9+$0x1D0] =	vst v0  }
0x6b: {  	[tilespmem:s9+$0x30] =	vst v1;
	v0 =	vld [tilespmem:s11+$0x1D4]  }
0x6c: {  	v1 =	vld [tilespmem:s11+$0xFFFFFF40];
	[tilespmem:s9+$0xB0] =	vst v2  }
0x6d: {  	v2 =	vld [tilespmem:s11+$0xFFFFFFC0];
	[tilespmem:s9+$0x130] =	vst v3  }
0x6e: {  	[tilespmem:s9+$0xFFFFFE40] =	vst v5;
	v3 =	vld [tilespmem:s11+$0x40]  }
0x6f: {  	[tilespmem:s9+$0xFFFFFEC0] =	vst v4;
	v4 =	vld [tilespmem:s11+$0xC0]  }
0x70: {  	v5 =	vld [tilespmem:s11+$0x140];
	[tilespmem:s9+$0x1D4] =	vst v0  }
0x71: {  	v0 =	vld [tilespmem:s11+$0xFFFFFE50];
	[tilespmem:s9+$0xFFFFFF40] =	vst v1  }
0x72: {  	v1 =	vld [tilespmem:s11+$0xFFFFFED0];
	[tilespmem:s9+$0xFFFFFFC0] =	vst v2  }
0x73: {  	v2 =	vld [tilespmem:s11+$0xFFFFFF50];
	[tilespmem:s9+$0x40] =	vst v3  }
0x74: {  	v3 =	vld [tilespmem:s11+$0xFFFFFFD0];
	[tilespmem:s9+$0xC0] =	vst v4  }
0x75: {  	v4 =	vld [tilespmem:s11+$0x50];
	[tilespmem:s9+$0x140] =	vst v5  }
0x76: {  	[tilespmem:s9+$0xFFFFFE50] =	vst v0;
	v5 =	vld [tilespmem:s11+$0xD0]  }
0x77: {  	[tilespmem:s9+$0xFFFFFED0] =	vst v1;
	v6 =	vld [tilespmem:s11+$0x150]  }
0x78: {  	v7 =	vld [tilespmem:s11+$0xFFFFFE54];
	[tilespmem:s9+$0xFFFFFF50] =	vst v2  }
0x79: {  	v8 =	vld [tilespmem:s11+$0xFFFFFED4];
	[tilespmem:s9+$0xFFFFFFD0] =	vst v3  }
.Ltmp0:
0x7a: {  	v0 =	vld [tilespmem:s11+$0xFFFFFF54];
	[tilespmem:s9+$0x50] =	vst v4;
	(pc) =	sbr.rel @p0 .LBB2_2-.Ltmp0, $4  }
0x7b: {  	v1 =	vld [tilespmem:s11+$0xFFFFFFD4];
	[tilespmem:s9+$0xD0] =	vst v5  }
0x7c: {  	v2 =	vld [tilespmem:s11+$0x54];
	[tilespmem:s9+$0x150] =	vst v6  }
0x7d: {  	[tilespmem:s9+$0xFFFFFE54] =	vst v7;
	v3 =	vld [tilespmem:s11+$0xD4]  }
0x7e: {  	[tilespmem:s9+$0xFFFFFED4] =	vst v8;
	v4 =	vld [tilespmem:s11+$0x154];
	s11 =	sadd.s32 $0x400, s11  }
0x7f: {  	[tilespmem:s9+$0xFFFFFF54] =	vst v0  }
0x80: {  	[tilespmem:s9+$0xFFFFFFD4] =	vst v1  }
0x81: {  	s8 =	sadd.s32 $0x1, s8;
	[tilespmem:s9+$0x54] =	vst v2  }
0x82: {  	p0 =	sne.s32 s8, s5;
	[tilespmem:s9+$0xD4] =	vst v3  }
.Ltmp1:
0x83: {  	[tilespmem:s9+$0x154] =	vst v4;
	(pc) =	sbr.rel @p0 .LBB2_1-.Ltmp1, $4  }
0x84: {  	[hbm4b:s4+s2] =	stream.linear.scatter [tilespmem:s7], [sflag:$0x1], $0x10000, $0x38;
	v63 =	vld [tilespmem:$0x0]  }
0x85: {  	_ =	swait.ge [sflag:s6], $0x10000  }
0x86: {  	[sflag:s6] =	ssyncset.done $0x0  }
0x87: {  	[sflag:s6] =	ssyncadd.s32 $0xFFFF0000  }
0x88: {  	_ =	sfence.sel $0x180000  }
0x89: {  	[bflag:$0x0] =	sbarrier.arrive $0xFFFF  }
0x8a: {  	p0 =	sne.s32 s1, $0x0;
	_ =	strace $0x90000047  }
0x8b: {  	s0 =	sadd.s32 @!p0 $0x100000, s0;
	[bflag:$0x2] =	sbarrier.arrive $0xFFFF  }
0x8c: {  	[sflag:s0] =	ssyncadd.tile.s32 @!p0 $0x1;
	_ =	shalt  }
.Lfunc_end2:
_tile_overlayer_lowered:
.L_overlay_start_2:
0x8d: {  	(tag) =	ssettag $0x2  }
0x8e: {  	s0 =	rddreg [dreg:$0x0];
	s2 =	stileid.u32  }
0x8f: {  	s1 =	rddreg [dreg:$0x1];
	p0 =	sne.s32 s2, $0x0  }
0x90: {  	s3 =	rddreg [dreg:$0x2];
	[bflag:$0x3] =	sbarrier.arrive $0xFFFF;
	s2 =	simm.s32 @!p0 $0x1C01  }
0x91: {  	[timem:s3], [sflag:s2] =	dma.local @!p0 [hbm:s0], s1  }
0x92: {  	s0 =	simm.s32 @!p0 $0x1  }
0x93: {  	_ =	swait.ge @!p0 [sflag:s0], s1  }
0x94: {  	s1 =	ssub.s32 @!p0 $0x0, s1;
	[sflag:s0] =	ssyncset.done @!p0 $0x0  }
0x95: {  	[sflag:s0] =	ssyncadd.s32 @!p0 s1  }
0x96: {  	[bflag:$0x3] =	sbarrier.arrive $0xFFFF  }
0x97: {  	_ =	shalt  }

</sc_bundles>
